<compile_context>
chip_gen: v7x
topology: tpu7x:2x2x1
jax: 0.10.2.dev20260603
libtpu: 0.0.44.dev20260713+nightly
codegen_flags: <defaults>
</compile_context>

<pallas_src>
import functools

import jax
import jax.numpy as jnp
from jax import lax
from jax.experimental import pallas as pl
from jax.experimental.pallas import tpu as pltpu
from jax.experimental.pallas import tpu_sc as plsc

NUM_CLASSES = 1000
HALF = 64
OUT_DIM = 2 * HALF
B, N = 4096, 200
TOT = B * N

NC, NS = 2, 16
NW = NC * NS
PER_W = TOT // NW
CH = 128
K = 4
GRP = K * CH
N_GRP = PER_W // GRP


def _sc_gather(ids_flat, table):
    mesh = plsc.VectorSubcoreMesh(core_axis_name="c", subcore_axis_name="s")

    @functools.partial(
        pl.kernel,
        out_type=jax.ShapeDtypeStruct((TOT, OUT_DIM), jnp.float32),
        mesh=mesh,
        compiler_params=pltpu.CompilerParams(use_tc_tiling_on_sc=False),
        scratch_types=[
            pltpu.VMEM((PER_W,), jnp.int32),
            pltpu.VMEM((GRP, HALF), jnp.float32),
            pltpu.VMEM((GRP, HALF), jnp.float32),
            pltpu.VMEM_SHARED((NUM_CLASSES, HALF), jnp.float32),
            pltpu.SemaphoreType.DMA,
            pltpu.SemaphoreType.DMA,
            pltpu.SemaphoreType.DMA,
            pltpu.SemaphoreType.DMA,
        ],
    )
    def sc_body(ids_hbm, table_hbm, out_hbm, idx_v, rows0, rows1, tab_s,
                g0, g1, w0, w1):
        cid = lax.axis_index("c")
        sid = lax.axis_index("s")
        wid = sid * NC + cid
        base = wid * PER_W

        @pl.when(sid == 0)
        def _stage_table():
            pltpu.sync_copy(table_hbm, tab_s)

        plsc.subcore_barrier()
        pltpu.sync_copy(ids_hbm.at[pl.ds(base, PER_W)], idx_v)

        def issue_gathers(g, rows, gsem):
            for j in range(K):
                pltpu.async_copy(
                    tab_s.at[idx_v.at[pl.ds(g * GRP + j * CH, CH)]],
                    rows.at[pl.ds(j * CH, CH)],
                    gsem,
                )

        def drain_gathers(rows, gsem):
            pltpu.make_async_copy(tab_s.at[pl.ds(0, GRP)], rows, gsem).wait()

        def issue_write(g, rows, wsem):
            pltpu.async_copy(
                rows,
                out_hbm.at[pl.ds(base + g * GRP, GRP), pl.ds(0, HALF)],
                wsem,
            )

        def drain_write(rows, wsem):
            pltpu.make_async_copy(
                rows, out_hbm.at[pl.ds(0, GRP), pl.ds(0, HALF)], wsem).wait()

        issue_gathers(0, rows0, g0)
        issue_gathers(1, rows1, g1)

        @pl.loop(0, N_GRP, step=2)
        def _grp(g):
            drain_gathers(rows0, g0)
            issue_write(g, rows0, w0)
            drain_gathers(rows1, g1)
            issue_write(g + 1, rows1, w1)

            @pl.when(g + 2 < N_GRP)
            def _refill0():
                drain_write(rows0, w0)
                issue_gathers(g + 2, rows0, g0)

            @pl.when(g + 3 < N_GRP)
            def _refill1():
                drain_write(rows1, w1)
                issue_gathers(g + 3, rows1, g1)

        drain_write(rows0, w0)
        drain_write(rows1, w1)

    return sc_body(ids_flat, table)


BB = 128
TB = BB * N


def _tc_body(buf_ref, c3_ref, w1_ref, b1_ref, w2_ref, b2_ref, out_ref):
    c = c3_ref[...]
    ct = jnp.transpose(c, (0, 2, 1))
    lhs = ct.reshape(3, TB)
    h = (
        jax.lax.dot_general(
            lhs, w1_ref[...], (((0,), (0,)), ((), ())),
            preferred_element_type=jnp.float32,
        )
        + b1_ref[...]
    )
    h = jnp.maximum(h, 0.0)
    coord_emb = (
        jax.lax.dot_general(
            h, w2_ref[...], (((1,), (0,)), ((), ())),
            preferred_element_type=jnp.float32,
        )
        + b2_ref[...]
    )
    out_ref[...] = jnp.concatenate([buf_ref[:, :HALF], coord_emb], axis=1)


def _tc_mlp(sc_out, coords_t, W1, b1, W2, b2):
    grid = (B // BB,)
    return pl.pallas_call(
        _tc_body,
        grid=grid,
        in_specs=[
            pl.BlockSpec((TB, OUT_DIM), lambda i: (i, 0)),
            pl.BlockSpec((3, N, BB), lambda i: (0, 0, i)),
            pl.BlockSpec((3, HALF), lambda i: (0, 0)),
            pl.BlockSpec((1, HALF), lambda i: (0, 0)),
            pl.BlockSpec((HALF, HALF), lambda i: (0, 0)),
            pl.BlockSpec((1, HALF), lambda i: (0, 0)),
        ],
        out_specs=pl.BlockSpec((TB, OUT_DIM), lambda i: (i, 0)),
        out_shape=jax.ShapeDtypeStruct((TOT, OUT_DIM), jnp.float32),
        input_output_aliases={0: 0},
        compiler_params=pltpu.CompilerParams(vmem_limit_bytes=100 * 1024 * 1024),
    )(sc_out, coords_t, W1, b1, W2, b2)


def kernel(class_ids, coords, emb_table, W1, b1, W2, b2):
    ids_flat = class_ids.reshape(TOT).astype(jnp.int32)
    coords_t = jnp.transpose(coords, (2, 1, 0))
    sc_out = _sc_gather(ids_flat, emb_table)
    out = _tc_mlp(
        sc_out, coords_t, W1, b1.reshape(1, HALF), W2, b2.reshape(1, HALF)
    )
    return out.reshape(B, N, OUT_DIM)

# --- scband reference (transcript-rebuilt; emitter-appended) ---
"""Pipeline reference for scband-obj-name-coord-encode-3272765080005 (READ-ONLY COPY).

The authoritative reference and input builder live on the scoring server;
editing this copy changes nothing except your own understanding.
"""

import jax, jax.numpy as jnp
import numpy as np

NUM_CLASSES = 1000
OUTPUT_DIM = 128
HALF = OUTPUT_DIM // 2
B, N = 4096, 200


def setup_inputs(seed: int = 0) -> dict:
    key = jax.random.key(seed)
    k1, k2, k3, k4, k5, k6, k7 = jax.random.split(key, 7)
    class_ids = jax.random.randint(k1, (B, N), 0, NUM_CLASSES, dtype=jnp.int64 if jax.config.jax_enable_x64 else jnp.int32)
    coords = jax.random.normal(k2, (B, N, 3), dtype=jnp.float32)
    emb_table = jax.random.normal(k3, (NUM_CLASSES, HALF), dtype=jnp.float32)
    # Linear(3, 64)
    W1 = jax.random.normal(k4, (3, HALF), dtype=jnp.float32) * (1.0 / np.sqrt(3))
    b1 = jax.random.normal(k5, (HALF,), dtype=jnp.float32) * 0.01
    # Linear(64, 64)
    W2 = jax.random.normal(k6, (HALF, HALF), dtype=jnp.float32) * (1.0 / np.sqrt(HALF))
    b2 = jax.random.normal(k7, (HALF,), dtype=jnp.float32) * 0.01
    return {"class_ids": class_ids, "coords": coords, "emb_table": emb_table, "W1": W1, "b1": b1, "W2": W2, "b2": b2}


def reference(class_ids, coords, emb_table, W1, b1, W2, b2):
    # class embedding lookup (gather)
    class_embedding = jnp.take(emb_table, class_ids, axis=0)  # [B, N, HALF]
    # coord MLP: Linear -> ReLU -> Linear
    h = jnp.maximum(jnp.einsum('bnc,ch->bnh', coords, W1) + b1, 0.0)
    coord_embedding = jnp.einsum('bnh,hk->bnk', h, W2) + b2  # [B, N, HALF]
    return jnp.concatenate([class_embedding, coord_embedding], axis=2)

if __name__ == "__main__":
    import jax
    _d = setup_inputs()
    print(jax.jit(kernel)(*tuple(_d.values())))

</pallas_src>

<mosaic_0001>
#map = affine_map<(d0, d1) -> (0)>
#map1 = affine_map<(d0, d1) -> (0, 0)>
module attributes {stable_mosaic.version = 14 : i64} {
  func.func @sc_body(%arg0: i32, %arg1: i32, %arg2: memref<819200xi32, #tpu.memory_space<hbm>>, %arg3: memref<1000x64xf32, #tpu.memory_space<hbm>>, %arg4: memref<819200x128xf32, #tpu.memory_space<hbm>>, %arg5: memref<25600xi32, #tpu.memory_space<vmem>>, %arg6: memref<512x64xf32, #tpu.memory_space<vmem>>, %arg7: memref<512x64xf32, #tpu.memory_space<vmem>>, %arg8: memref<1000x64xf32, #tpu.memory_space<vmem_shared>>, %arg9: memref<!tpu.dma_semaphore, #tpu.memory_space<semaphore_mem>>, %arg10: memref<!tpu.dma_semaphore, #tpu.memory_space<semaphore_mem>>, %arg11: memref<!tpu.dma_semaphore, #tpu.memory_space<semaphore_mem>>, %arg12: memref<!tpu.dma_semaphore, #tpu.memory_space<semaphore_mem>>) attributes {dimension_semantics = [#tpu.dimension_semantics<core_parallel>, #tpu.dimension_semantics<subcore_parallel>], iteration_bounds = array<i64: 2, 16>, scalar_prefetch = 0 : i64, scratch_operands = 8 : i64, tpu.core_type = #tpu.core_type<sc_vector_subcore>, window_params = [{transform_indices = #map}, {transform_indices = #map1}, {transform_indices = #map1}]} {
    %mul3A = arith.constant 2 : i32
    %mul3A_0 = arith.muli %arg1, %mul3A : i32
    %add3A = arith.addi %mul3A_0, %arg0 : i32
    %mul3A_1 = arith.constant 25600 : i32
    %mul3A_2 = arith.muli %add3A, %mul3A_1 : i32
    %eq3A = arith.constant 0 : i32
    %eq3A_3 = arith.cmpi eq, %arg1, %eq3A : i32
    %convert_element_type3A = arith.extui %eq3A_3 : i1 to i32
    %cond3A = arith.constant 0 : i32
    %cond3A_4 = arith.cmpi ne, %convert_element_type3A, %cond3A : i32
    scf.if %cond3A_4 {
      "tpu.region"() ({
        %run_scoped3A = tpu.sem_alloc : memref<!tpu.dma_semaphore, #tpu.memory_space<semaphore_mem>>
        tpu.enqueue_dma source(%arg3 : memref<1000x64xf32, #tpu.memory_space<hbm>>) target(%arg8 : memref<1000x64xf32, #tpu.memory_space<vmem_shared>>) target_semaphore(%run_scoped3A : memref<!tpu.dma_semaphore, #tpu.memory_space<semaphore_mem>>)
        tpu.wait_dma2 semaphore(%run_scoped3A : memref<!tpu.dma_semaphore, #tpu.memory_space<semaphore_mem>>) src(%arg3 : memref<1000x64xf32, #tpu.memory_space<hbm>>) dst(%arg8 : memref<1000x64xf32, #tpu.memory_space<vmem_shared>>)
        tpu.yield
      }) : () -> ()
    } else {
    }
    %barrier3A = arith.constant 0 : index
    tpu.barrier barrier_id(%barrier3A)
    "tpu.region"() ({
      %run_scoped3A = tpu.sem_alloc : memref<!tpu.dma_semaphore, #tpu.memory_space<semaphore_mem>>
      %dma_start3A_83 = tpu.memref_slice %arg2[%mul3A_2] : memref<819200xi32, #tpu.memory_space<hbm>> -> memref<25600xi32, #tpu.memory_space<hbm>>
      %dma_start3A_84 = tpu.memref_slice %arg2[%mul3A_2] : memref<819200xi32, #tpu.memory_space<hbm>> -> memref<25600xi32, #tpu.memory_space<hbm>>
      tpu.enqueue_dma source(%dma_start3A_84 : memref<25600xi32, #tpu.memory_space<hbm>>) target(%arg5 : memref<25600xi32, #tpu.memory_space<vmem>>) target_semaphore(%run_scoped3A : memref<!tpu.dma_semaphore, #tpu.memory_space<semaphore_mem>>)
      %dma_wait3A_85 = tpu.memref_slice %arg2[%mul3A_2] : memref<819200xi32, #tpu.memory_space<hbm>> -> memref<25600xi32, #tpu.memory_space<hbm>>
      %dma_wait3A_86 = tpu.memref_slice %arg2[%mul3A_2] : memref<819200xi32, #tpu.memory_space<hbm>> -> memref<25600xi32, #tpu.memory_space<hbm>>
      tpu.wait_dma2 semaphore(%run_scoped3A : memref<!tpu.dma_semaphore, #tpu.memory_space<semaphore_mem>>) src(%dma_wait3A_86 : memref<25600xi32, #tpu.memory_space<hbm>>) dst(%arg5 : memref<25600xi32, #tpu.memory_space<vmem>>)
      tpu.yield
    }) : () -> ()
    %dma_start3A = arith.constant 0 : i32
    %dma_start3A_5 = arith.constant 0 : i32
    %dma_start3A_6 = tpu.memref_slice %arg6[%dma_start3A, %dma_start3A_5] : memref<512x64xf32, #tpu.memory_space<vmem>> -> memref<128x64xf32, #tpu.memory_space<vmem>>
    %dma_start3A_7 = arith.constant 0 : i32
    %dma_start3A_8 = tpu.memref_slice %arg5[%dma_start3A_7] : memref<25600xi32, #tpu.memory_space<vmem>> -> memref<128xi32, #tpu.memory_space<vmem>>
    %dma_start3A_9 = arith.constant 0 : i32
    %dma_start3A_10 = arith.constant 0 : i32
    %dma_start3A_11 = tpu.memref_slice %arg8[%dma_start3A_9, %dma_start3A_10] : memref<1000x64xf32, #tpu.memory_space<vmem_shared>> -> memref<1000x64xf32, #tpu.memory_space<vmem_shared>>
    tpu.enqueue_indirect_dma source(%dma_start3A_11 : memref<1000x64xf32, #tpu.memory_space<vmem_shared>>) target(%dma_start3A_6 : memref<128x64xf32, #tpu.memory_space<vmem>>) offsets(%dma_start3A_8 : memref<128xi32, #tpu.memory_space<vmem>>) semaphore(%arg9 : memref<!tpu.dma_semaphore, #tpu.memory_space<semaphore_mem>>)
    %dma_start3A_12 = arith.constant 128 : i32
    %dma_start3A_13 = arith.constant 0 : i32
    %dma_start3A_14 = tpu.memref_slice %arg6[%dma_start3A_12, %dma_start3A_13] : memref<512x64xf32, #tpu.memory_space<vmem>> -> memref<128x64xf32, #tpu.memory_space<vmem>>
    %dma_start3A_15 = arith.constant 128 : i32
    %dma_start3A_16 = tpu.memref_slice %arg5[%dma_start3A_15] : memref<25600xi32, #tpu.memory_space<vmem>> -> memref<128xi32, #tpu.memory_space<vmem>>
    %dma_start3A_17 = arith.constant 0 : i32
    %dma_start3A_18 = arith.constant 0 : i32
    %dma_start3A_19 = tpu.memref_slice %arg8[%dma_start3A_17, %dma_start3A_18] : memref<1000x64xf32, #tpu.memory_space<vmem_shared>> -> memref<1000x64xf32, #tpu.memory_space<vmem_shared>>
    tpu.enqueue_indirect_dma source(%dma_start3A_19 : memref<1000x64xf32, #tpu.memory_space<vmem_shared>>) target(%dma_start3A_14 : memref<128x64xf32, #tpu.memory_space<vmem>>) offsets(%dma_start3A_16 : memref<128xi32, #tpu.memory_space<vmem>>) semaphore(%arg9 : memref<!tpu.dma_semaphore, #tpu.memory_space<semaphore_mem>>)
    %dma_start3A_20 = arith.constant 256 : i32
    %dma_start3A_21 = arith.constant 0 : i32
    %dma_start3A_22 = tpu.memref_slice %arg6[%dma_start3A_20, %dma_start3A_21] : memref<512x64xf32, #tpu.memory_space<vmem>> -> memref<128x64xf32, #tpu.memory_space<vmem>>
    %dma_start3A_23 = arith.constant 256 : i32
    %dma_start3A_24 = tpu.memref_slice %arg5[%dma_start3A_23] : memref<25600xi32, #tpu.memory_space<vmem>> -> memref<128xi32, #tpu.memory_space<vmem>>
    %dma_start3A_25 = arith.constant 0 : i32
    %dma_start3A_26 = arith.constant 0 : i32
    %dma_start3A_27 = tpu.memref_slice %arg8[%dma_start3A_25, %dma_start3A_26] : memref<1000x64xf32, #tpu.memory_space<vmem_shared>> -> memref<1000x64xf32, #tpu.memory_space<vmem_shared>>
    tpu.enqueue_indirect_dma source(%dma_start3A_27 : memref<1000x64xf32, #tpu.memory_space<vmem_shared>>) target(%dma_start3A_22 : memref<128x64xf32, #tpu.memory_space<vmem>>) offsets(%dma_start3A_24 : memref<128xi32, #tpu.memory_space<vmem>>) semaphore(%arg9 : memref<!tpu.dma_semaphore, #tpu.memory_space<semaphore_mem>>)
    %dma_start3A_28 = arith.constant 384 : i32
    %dma_start3A_29 = arith.constant 0 : i32
    %dma_start3A_30 = tpu.memref_slice %arg6[%dma_start3A_28, %dma_start3A_29] : memref<512x64xf32, #tpu.memory_space<vmem>> -> memref<128x64xf32, #tpu.memory_space<vmem>>
    %dma_start3A_31 = arith.constant 384 : i32
    %dma_start3A_32 = tpu.memref_slice %arg5[%dma_start3A_31] : memref<25600xi32, #tpu.memory_space<vmem>> -> memref<128xi32, #tpu.memory_space<vmem>>
    %dma_start3A_33 = arith.constant 0 : i32
    %dma_start3A_34 = arith.constant 0 : i32
    %dma_start3A_35 = tpu.memref_slice %arg8[%dma_start3A_33, %dma_start3A_34] : memref<1000x64xf32, #tpu.memory_space<vmem_shared>> -> memref<1000x64xf32, #tpu.memory_space<vmem_shared>>
    tpu.enqueue_indirect_dma source(%dma_start3A_35 : memref<1000x64xf32, #tpu.memory_space<vmem_shared>>) target(%dma_start3A_30 : memref<128x64xf32, #tpu.memory_space<vmem>>) offsets(%dma_start3A_32 : memref<128xi32, #tpu.memory_space<vmem>>) semaphore(%arg9 : memref<!tpu.dma_semaphore, #tpu.memory_space<semaphore_mem>>)
    %dma_start3A_36 = arith.constant 0 : i32
    %dma_start3A_37 = arith.constant 0 : i32
    %dma_start3A_38 = tpu.memref_slice %arg7[%dma_start3A_36, %dma_start3A_37] : memref<512x64xf32, #tpu.memory_space<vmem>> -> memref<128x64xf32, #tpu.memory_space<vmem>>
    %dma_start3A_39 = arith.constant 512 : i32
    %dma_start3A_40 = tpu.memref_slice %arg5[%dma_start3A_39] : memref<25600xi32, #tpu.memory_space<vmem>> -> memref<128xi32, #tpu.memory_space<vmem>>
    %dma_start3A_41 = arith.constant 0 : i32
    %dma_start3A_42 = arith.constant 0 : i32
    %dma_start3A_43 = tpu.memref_slice %arg8[%dma_start3A_41, %dma_start3A_42] : memref<1000x64xf32, #tpu.memory_space<vmem_shared>> -> memref<1000x64xf32, #tpu.memory_space<vmem_shared>>
    tpu.enqueue_indirect_dma source(%dma_start3A_43 : memref<1000x64xf32, #tpu.memory_space<vmem_shared>>) target(%dma_start3A_38 : memref<128x64xf32, #tpu.memory_space<vmem>>) offsets(%dma_start3A_40 : memref<128xi32, #tpu.memory_space<vmem>>) semaphore(%arg10 : memref<!tpu.dma_semaphore, #tpu.memory_space<semaphore_mem>>)
    %dma_start3A_44 = arith.constant 128 : i32
    %dma_start3A_45 = arith.constant 0 : i32
    %dma_start3A_46 = tpu.memref_slice %arg7[%dma_start3A_44, %dma_start3A_45] : memref<512x64xf32, #tpu.memory_space<vmem>> -> memref<128x64xf32, #tpu.memory_space<vmem>>
    %dma_start3A_47 = arith.constant 640 : i32
    %dma_start3A_48 = tpu.memref_slice %arg5[%dma_start3A_47] : memref<25600xi32, #tpu.memory_space<vmem>> -> memref<128xi32, #tpu.memory_space<vmem>>
    %dma_start3A_49 = arith.constant 0 : i32
    %dma_start3A_50 = arith.constant 0 : i32
    %dma_start3A_51 = tpu.memref_slice %arg8[%dma_start3A_49, %dma_start3A_50] : memref<1000x64xf32, #tpu.memory_space<vmem_shared>> -> memref<1000x64xf32, #tpu.memory_space<vmem_shared>>
    tpu.enqueue_indirect_dma source(%dma_start3A_51 : memref<1000x64xf32, #tpu.memory_space<vmem_shared>>) target(%dma_start3A_46 : memref<128x64xf32, #tpu.memory_space<vmem>>) offsets(%dma_start3A_48 : memref<128xi32, #tpu.memory_space<vmem>>) semaphore(%arg10 : memref<!tpu.dma_semaphore, #tpu.memory_space<semaphore_mem>>)
    %dma_start3A_52 = arith.constant 256 : i32
    %dma_start3A_53 = arith.constant 0 : i32
    %dma_start3A_54 = tpu.memref_slice %arg7[%dma_start3A_52, %dma_start3A_53] : memref<512x64xf32, #tpu.memory_space<vmem>> -> memref<128x64xf32, #tpu.memory_space<vmem>>
    %dma_start3A_55 = arith.constant 768 : i32
    %dma_start3A_56 = tpu.memref_slice %arg5[%dma_start3A_55] : memref<25600xi32, #tpu.memory_space<vmem>> -> memref<128xi32, #tpu.memory_space<vmem>>
    %dma_start3A_57 = arith.constant 0 : i32
    %dma_start3A_58 = arith.constant 0 : i32
    %dma_start3A_59 = tpu.memref_slice %arg8[%dma_start3A_57, %dma_start3A_58] : memref<1000x64xf32, #tpu.memory_space<vmem_shared>> -> memref<1000x64xf32, #tpu.memory_space<vmem_shared>>
    tpu.enqueue_indirect_dma source(%dma_start3A_59 : memref<1000x64xf32, #tpu.memory_space<vmem_shared>>) target(%dma_start3A_54 : memref<128x64xf32, #tpu.memory_space<vmem>>) offsets(%dma_start3A_56 : memref<128xi32, #tpu.memory_space<vmem>>) semaphore(%arg10 : memref<!tpu.dma_semaphore, #tpu.memory_space<semaphore_mem>>)
    %dma_start3A_60 = arith.constant 384 : i32
    %dma_start3A_61 = arith.constant 0 : i32
    %dma_start3A_62 = tpu.memref_slice %arg7[%dma_start3A_60, %dma_start3A_61] : memref<512x64xf32, #tpu.memory_space<vmem>> -> memref<128x64xf32, #tpu.memory_space<vmem>>
    %dma_start3A_63 = arith.constant 896 : i32
    %dma_start3A_64 = tpu.memref_slice %arg5[%dma_start3A_63] : memref<25600xi32, #tpu.memory_space<vmem>> -> memref<128xi32, #tpu.memory_space<vmem>>
    %dma_start3A_65 = arith.constant 0 : i32
    %dma_start3A_66 = arith.constant 0 : i32
    %dma_start3A_67 = tpu.memref_slice %arg8[%dma_start3A_65, %dma_start3A_66] : memref<1000x64xf32, #tpu.memory_space<vmem_shared>> -> memref<1000x64xf32, #tpu.memory_space<vmem_shared>>
    tpu.enqueue_indirect_dma source(%dma_start3A_67 : memref<1000x64xf32, #tpu.memory_space<vmem_shared>>) target(%dma_start3A_62 : memref<128x64xf32, #tpu.memory_space<vmem>>) offsets(%dma_start3A_64 : memref<128xi32, #tpu.memory_space<vmem>>) semaphore(%arg10 : memref<!tpu.dma_semaphore, #tpu.memory_space<semaphore_mem>>)
    %scan3A = arith.constant 0 : i32
    %scan3A_68 = arith.constant 25 : i32
    %scan3A_69 = arith.addi %scan3A, %scan3A_68 : i32
    %scan3A_70 = arith.constant 1 : i32
    scf.for %scan3A_83 = %scan3A to %scan3A_69 step %scan3A_70  : i32 {
      %mul3A_84 = arith.constant 2 : i32
      %mul3A_85 = arith.muli %scan3A_83, %mul3A_84 : i32
      %add3A_86 = arith.constant 0 : i32
      %add3A_87 = arith.addi %add3A_86, %mul3A_85 : i32
      %dma_wait3A_88 = arith.constant 0 : i32
      %dma_wait3A_89 = arith.constant 0 : i32
      %dma_wait3A_90 = tpu.memref_slice %arg8[%dma_wait3A_88, %dma_wait3A_89] : memref<1000x64xf32, #tpu.memory_space<vmem_shared>> -> memref<512x64xf32, #tpu.memory_space<vmem_shared>>
      %dma_wait3A_91 = arith.constant 0 : i32
      %dma_wait3A_92 = arith.constant 0 : i32
      %dma_wait3A_93 = tpu.memref_slice %arg8[%dma_wait3A_91, %dma_wait3A_92] : memref<1000x64xf32, #tpu.memory_space<vmem_shared>> -> memref<512x64xf32, #tpu.memory_space<vmem_shared>>
      tpu.wait_dma2 semaphore(%arg9 : memref<!tpu.dma_semaphore, #tpu.memory_space<semaphore_mem>>) src(%dma_wait3A_93 : memref<512x64xf32, #tpu.memory_space<vmem_shared>>) dst(%arg6 : memref<512x64xf32, #tpu.memory_space<vmem>>)
      %mul3A_94 = arith.constant 512 : i32
      %mul3A_95 = arith.muli %add3A_87, %mul3A_94 : i32
      %add3A_96 = arith.addi %mul3A_2, %mul3A_95 : i32
      %dma_start3A_97 = arith.constant 0 : i32
      %dma_start3A_98 = tpu.memref_slice %arg4[%add3A_96, %dma_start3A_97] : memref<819200x128xf32, #tpu.memory_space<hbm>> -> memref<512x64xf32, #tpu.memory_space<hbm>>
      %dma_start3A_99 = arith.constant 0 : i32
      %dma_start3A_100 = tpu.memref_slice %arg4[%add3A_96, %dma_start3A_99] : memref<819200x128xf32, #tpu.memory_space<hbm>> -> memref<512x64xf32, #tpu.memory_space<hbm>>
      tpu.enqueue_dma source(%arg6 : memref<512x64xf32, #tpu.memory_space<vmem>>) target(%dma_start3A_100 : memref<512x64xf32, #tpu.memory_space<hbm>>) target_semaphore(%arg11 : memref<!tpu.dma_semaphore, #tpu.memory_space<semaphore_mem>>)
      %dma_wait3A_101 = arith.constant 0 : i32
      %dma_wait3A_102 = arith.constant 0 : i32
      %dma_wait3A_103 = tpu.memref_slice %arg8[%dma_wait3A_101, %dma_wait3A_102] : memref<1000x64xf32, #tpu.memory_space<vmem_shared>> -> memref<512x64xf32, #tpu.memory_space<vmem_shared>>
      %dma_wait3A_104 = arith.constant 0 : i32
      %dma_wait3A_105 = arith.constant 0 : i32
      %dma_wait3A_106 = tpu.memref_slice %arg8[%dma_wait3A_104, %dma_wait3A_105] : memref<1000x64xf32, #tpu.memory_space<vmem_shared>> -> memref<512x64xf32, #tpu.memory_space<vmem_shared>>
      tpu.wait_dma2 semaphore(%arg10 : memref<!tpu.dma_semaphore, #tpu.memory_space<semaphore_mem>>) src(%dma_wait3A_106 : memref<512x64xf32, #tpu.memory_space<vmem_shared>>) dst(%arg7 : memref<512x64xf32, #tpu.memory_space<vmem>>)
      %add3A_107 = arith.constant 1 : i32
      %add3A_108 = arith.addi %add3A_87, %add3A_107 : i32
      %mul3A_109 = arith.constant 512 : i32
      %mul3A_110 = arith.muli %add3A_108, %mul3A_109 : i32
      %add3A_111 = arith.addi %mul3A_2, %mul3A_110 : i32
      %dma_start3A_112 = arith.constant 0 : i32
      %dma_start3A_113 = tpu.memref_slice %arg4[%add3A_111, %dma_start3A_112] : memref<819200x128xf32, #tpu.memory_space<hbm>> -> memref<512x64xf32, #tpu.memory_space<hbm>>
      %dma_start3A_114 = arith.constant 0 : i32
      %dma_start3A_115 = tpu.memref_slice %arg4[%add3A_111, %dma_start3A_114] : memref<819200x128xf32, #tpu.memory_space<hbm>> -> memref<512x64xf32, #tpu.memory_space<hbm>>
      tpu.enqueue_dma source(%arg7 : memref<512x64xf32, #tpu.memory_space<vmem>>) target(%dma_start3A_115 : memref<512x64xf32, #tpu.memory_space<hbm>>) target_semaphore(%arg12 : memref<!tpu.dma_semaphore, #tpu.memory_space<semaphore_mem>>)
      %add3A_116 = arith.constant 2 : i32
      %add3A_117 = arith.addi %add3A_87, %add3A_116 : i32
      %lt3A = arith.constant 50 : i32
      %lt3A_118 = arith.cmpi slt, %add3A_117, %lt3A : i32
      %convert_element_type3A_119 = arith.extui %lt3A_118 : i1 to i32
      %cond3A_120 = arith.constant 0 : i32
      %cond3A_121 = arith.cmpi ne, %convert_element_type3A_119, %cond3A_120 : i32
      scf.if %cond3A_121 {
        %dma_wait3A_129 = arith.constant 0 : i32
        %dma_wait3A_130 = arith.constant 0 : i32
        %dma_wait3A_131 = tpu.memref_slice %arg4[%dma_wait3A_129, %dma_wait3A_130] : memref<819200x128xf32, #tpu.memory_space<hbm>> -> memref<512x64xf32, #tpu.memory_space<hbm>>
        %dma_wait3A_132 = arith.constant 0 : i32
        %dma_wait3A_133 = arith.constant 0 : i32
        %dma_wait3A_134 = tpu.memref_slice %arg4[%dma_wait3A_132, %dma_wait3A_133] : memref<819200x128xf32, #tpu.memory_space<hbm>> -> memref<512x64xf32, #tpu.memory_space<hbm>>
        tpu.wait_dma2 semaphore(%arg11 : memref<!tpu.dma_semaphore, #tpu.memory_space<semaphore_mem>>) src(%arg6 : memref<512x64xf32, #tpu.memory_space<vmem>>) dst(%dma_wait3A_134 : memref<512x64xf32, #tpu.memory_space<hbm>>)
        %add3A_135 = arith.constant 2 : i32
        %add3A_136 = arith.addi %add3A_87, %add3A_135 : i32
        %mul3A_137 = arith.constant 512 : i32
        %mul3A_138 = arith.muli %add3A_136, %mul3A_137 : i32
        %add3A_139 = arith.constant 0 : i32
        %add3A_140 = arith.addi %mul3A_138, %add3A_139 : i32
        %dma_start3A_141 = arith.constant 0 : i32
        %dma_start3A_142 = arith.constant 0 : i32
        %dma_start3A_143 = tpu.memref_slice %arg6[%dma_start3A_141, %dma_start3A_142] : memref<512x64xf32, #tpu.memory_space<vmem>> -> memref<128x64xf32, #tpu.memory_space<vmem>>
        %dma_start3A_144 = tpu.memref_slice %arg5[%add3A_140] : memref<25600xi32, #tpu.memory_space<vmem>> -> memref<128xi32, #tpu.memory_space<vmem>>
        %dma_start3A_145 = arith.constant 0 : i32
        %dma_start3A_146 = arith.constant 0 : i32
        %dma_start3A_147 = tpu.memref_slice %arg8[%dma_start3A_145, %dma_start3A_146] : memref<1000x64xf32, #tpu.memory_space<vmem_shared>> -> memref<1000x64xf32, #tpu.memory_space<vmem_shared>>
        tpu.enqueue_indirect_dma source(%dma_start3A_147 : memref<1000x64xf32, #tpu.memory_space<vmem_shared>>) target(%dma_start3A_143 : memref<128x64xf32, #tpu.memory_space<vmem>>) offsets(%dma_start3A_144 : memref<128xi32, #tpu.memory_space<vmem>>) semaphore(%arg9 : memref<!tpu.dma_semaphore, #tpu.memory_space<semaphore_mem>>)
        %mul3A_148 = arith.constant 512 : i32
        %mul3A_149 = arith.muli %add3A_136, %mul3A_148 : i32
        %add3A_150 = arith.constant 128 : i32
        %add3A_151 = arith.addi %mul3A_149, %add3A_150 : i32
        %dma_start3A_152 = arith.constant 128 : i32
        %dma_start3A_153 = arith.constant 0 : i32
        %dma_start3A_154 = tpu.memref_slice %arg6[%dma_start3A_152, %dma_start3A_153] : memref<512x64xf32, #tpu.memory_space<vmem>> -> memref<128x64xf32, #tpu.memory_space<vmem>>
        %dma_start3A_155 = tpu.memref_slice %arg5[%add3A_151] : memref<25600xi32, #tpu.memory_space<vmem>> -> memref<128xi32, #tpu.memory_space<vmem>>
        %dma_start3A_156 = arith.constant 0 : i32
        %dma_start3A_157 = arith.constant 0 : i32
        %dma_start3A_158 = tpu.memref_slice %arg8[%dma_start3A_156, %dma_start3A_157] : memref<1000x64xf32, #tpu.memory_space<vmem_shared>> -> memref<1000x64xf32, #tpu.memory_space<vmem_shared>>
        tpu.enqueue_indirect_dma source(%dma_start3A_158 : memref<1000x64xf32, #tpu.memory_space<vmem_shared>>) target(%dma_start3A_154 : memref<128x64xf32, #tpu.memory_space<vmem>>) offsets(%dma_start3A_155 : memref<128xi32, #tpu.memory_space<vmem>>) semaphore(%arg9 : memref<!tpu.dma_semaphore, #tpu.memory_space<semaphore_mem>>)
        %mul3A_159 = arith.constant 512 : i32
        %mul3A_160 = arith.muli %add3A_136, %mul3A_159 : i32
        %add3A_161 = arith.constant 256 : i32
        %add3A_162 = arith.addi %mul3A_160, %add3A_161 : i32
        %dma_start3A_163 = arith.constant 256 : i32
        %dma_start3A_164 = arith.constant 0 : i32
        %dma_start3A_165 = tpu.memref_slice %arg6[%dma_start3A_163, %dma_start3A_164] : memref<512x64xf32, #tpu.memory_space<vmem>> -> memref<128x64xf32, #tpu.memory_space<vmem>>
        %dma_start3A_166 = tpu.memref_slice %arg5[%add3A_162] : memref<25600xi32, #tpu.memory_space<vmem>> -> memref<128xi32, #tpu.memory_space<vmem>>
        %dma_start3A_167 = arith.constant 0 : i32
        %dma_start3A_168 = arith.constant 0 : i32
        %dma_start3A_169 = tpu.memref_slice %arg8[%dma_start3A_167, %dma_start3A_168] : memref<1000x64xf32, #tpu.memory_space<vmem_shared>> -> memref<1000x64xf32, #tpu.memory_space<vmem_shared>>
        tpu.enqueue_indirect_dma source(%dma_start3A_169 : memref<1000x64xf32, #tpu.memory_space<vmem_shared>>) target(%dma_start3A_165 : memref<128x64xf32, #tpu.memory_space<vmem>>) offsets(%dma_start3A_166 : memref<128xi32, #tpu.memory_space<vmem>>) semaphore(%arg9 : memref<!tpu.dma_semaphore, #tpu.memory_space<semaphore_mem>>)
        %mul3A_170 = arith.constant 512 : i32
        %mul3A_171 = arith.muli %add3A_136, %mul3A_170 : i32
        %add3A_172 = arith.constant 384 : i32
        %add3A_173 = arith.addi %mul3A_171, %add3A_172 : i32
        %dma_start3A_174 = arith.constant 384 : i32
        %dma_start3A_175 = arith.constant 0 : i32
        %dma_start3A_176 = tpu.memref_slice %arg6[%dma_start3A_174, %dma_start3A_175] : memref<512x64xf32, #tpu.memory_space<vmem>> -> memref<128x64xf32, #tpu.memory_space<vmem>>
        %dma_start3A_177 = tpu.memref_slice %arg5[%add3A_173] : memref<25600xi32, #tpu.memory_space<vmem>> -> memref<128xi32, #tpu.memory_space<vmem>>
        %dma_start3A_178 = arith.constant 0 : i32
        %dma_start3A_179 = arith.constant 0 : i32
        %dma_start3A_180 = tpu.memref_slice %arg8[%dma_start3A_178, %dma_start3A_179] : memref<1000x64xf32, #tpu.memory_space<vmem_shared>> -> memref<1000x64xf32, #tpu.memory_space<vmem_shared>>
        tpu.enqueue_indirect_dma source(%dma_start3A_180 : memref<1000x64xf32, #tpu.memory_space<vmem_shared>>) target(%dma_start3A_176 : memref<128x64xf32, #tpu.memory_space<vmem>>) offsets(%dma_start3A_177 : memref<128xi32, #tpu.memory_space<vmem>>) semaphore(%arg9 : memref<!tpu.dma_semaphore, #tpu.memory_space<semaphore_mem>>)
      } else {
      }
      %add3A_122 = arith.constant 3 : i32
      %add3A_123 = arith.addi %add3A_87, %add3A_122 : i32
      %lt3A_124 = arith.constant 50 : i32
      %lt3A_125 = arith.cmpi slt, %add3A_123, %lt3A_124 : i32
      %convert_element_type3A_126 = arith.extui %lt3A_125 : i1 to i32
      %cond3A_127 = arith.constant 0 : i32
      %cond3A_128 = arith.cmpi ne, %convert_element_type3A_126, %cond3A_127 : i32
      scf.if %cond3A_128 {
        %dma_wait3A_129 = arith.constant 0 : i32
        %dma_wait3A_130 = arith.constant 0 : i32
        %dma_wait3A_131 = tpu.memref_slice %arg4[%dma_wait3A_129, %dma_wait3A_130] : memref<819200x128xf32, #tpu.memory_space<hbm>> -> memref<512x64xf32, #tpu.memory_space<hbm>>
        %dma_wait3A_132 = arith.constant 0 : i32
        %dma_wait3A_133 = arith.constant 0 : i32
        %dma_wait3A_134 = tpu.memref_slice %arg4[%dma_wait3A_132, %dma_wait3A_133] : memref<819200x128xf32, #tpu.memory_space<hbm>> -> memref<512x64xf32, #tpu.memory_space<hbm>>
        tpu.wait_dma2 semaphore(%arg12 : memref<!tpu.dma_semaphore, #tpu.memory_space<semaphore_mem>>) src(%arg7 : memref<512x64xf32, #tpu.memory_space<vmem>>) dst(%dma_wait3A_134 : memref<512x64xf32, #tpu.memory_space<hbm>>)
        %add3A_135 = arith.constant 3 : i32
        %add3A_136 = arith.addi %add3A_87, %add3A_135 : i32
        %mul3A_137 = arith.constant 512 : i32
        %mul3A_138 = arith.muli %add3A_136, %mul3A_137 : i32
        %add3A_139 = arith.constant 0 : i32
        %add3A_140 = arith.addi %mul3A_138, %add3A_139 : i32
        %dma_start3A_141 = arith.constant 0 : i32
        %dma_start3A_142 = arith.constant 0 : i32
        %dma_start3A_143 = tpu.memref_slice %arg7[%dma_start3A_141, %dma_start3A_142] : memref<512x64xf32, #tpu.memory_space<vmem>> -> memref<128x64xf32, #tpu.memory_space<vmem>>
        %dma_start3A_144 = tpu.memref_slice %arg5[%add3A_140] : memref<25600xi32, #tpu.memory_space<vmem>> -> memref<128xi32, #tpu.memory_space<vmem>>
        %dma_start3A_145 = arith.constant 0 : i32
        %dma_start3A_146 = arith.constant 0 : i32
        %dma_start3A_147 = tpu.memref_slice %arg8[%dma_start3A_145, %dma_start3A_146] : memref<1000x64xf32, #tpu.memory_space<vmem_shared>> -> memref<1000x64xf32, #tpu.memory_space<vmem_shared>>
        tpu.enqueue_indirect_dma source(%dma_start3A_147 : memref<1000x64xf32, #tpu.memory_space<vmem_shared>>) target(%dma_start3A_143 : memref<128x64xf32, #tpu.memory_space<vmem>>) offsets(%dma_start3A_144 : memref<128xi32, #tpu.memory_space<vmem>>) semaphore(%arg10 : memref<!tpu.dma_semaphore, #tpu.memory_space<semaphore_mem>>)
        %mul3A_148 = arith.constant 512 : i32
        %mul3A_149 = arith.muli %add3A_136, %mul3A_148 : i32
        %add3A_150 = arith.constant 128 : i32
        %add3A_151 = arith.addi %mul3A_149, %add3A_150 : i32
        %dma_start3A_152 = arith.constant 128 : i32
        %dma_start3A_153 = arith.constant 0 : i32
        %dma_start3A_154 = tpu.memref_slice %arg7[%dma_start3A_152, %dma_start3A_153] : memref<512x64xf32, #tpu.memory_space<vmem>> -> memref<128x64xf32, #tpu.memory_space<vmem>>
        %dma_start3A_155 = tpu.memref_slice %arg5[%add3A_151] : memref<25600xi32, #tpu.memory_space<vmem>> -> memref<128xi32, #tpu.memory_space<vmem>>
        %dma_start3A_156 = arith.constant 0 : i32
        %dma_start3A_157 = arith.constant 0 : i32
        %dma_start3A_158 = tpu.memref_slice %arg8[%dma_start3A_156, %dma_start3A_157] : memref<1000x64xf32, #tpu.memory_space<vmem_shared>> -> memref<1000x64xf32, #tpu.memory_space<vmem_shared>>
        tpu.enqueue_indirect_dma source(%dma_start3A_158 : memref<1000x64xf32, #tpu.memory_space<vmem_shared>>) target(%dma_start3A_154 : memref<128x64xf32, #tpu.memory_space<vmem>>) offsets(%dma_start3A_155 : memref<128xi32, #tpu.memory_space<vmem>>) semaphore(%arg10 : memref<!tpu.dma_semaphore, #tpu.memory_space<semaphore_mem>>)
        %mul3A_159 = arith.constant 512 : i32
        %mul3A_160 = arith.muli %add3A_136, %mul3A_159 : i32
        %add3A_161 = arith.constant 256 : i32
        %add3A_162 = arith.addi %mul3A_160, %add3A_161 : i32
        %dma_start3A_163 = arith.constant 256 : i32
        %dma_start3A_164 = arith.constant 0 : i32
        %dma_start3A_165 = tpu.memref_slice %arg7[%dma_start3A_163, %dma_start3A_164] : memref<512x64xf32, #tpu.memory_space<vmem>> -> memref<128x64xf32, #tpu.memory_space<vmem>>
        %dma_start3A_166 = tpu.memref_slice %arg5[%add3A_162] : memref<25600xi32, #tpu.memory_space<vmem>> -> memref<128xi32, #tpu.memory_space<vmem>>
        %dma_start3A_167 = arith.constant 0 : i32
        %dma_start3A_168 = arith.constant 0 : i32
        %dma_start3A_169 = tpu.memref_slice %arg8[%dma_start3A_167, %dma_start3A_168] : memref<1000x64xf32, #tpu.memory_space<vmem_shared>> -> memref<1000x64xf32, #tpu.memory_space<vmem_shared>>
        tpu.enqueue_indirect_dma source(%dma_start3A_169 : memref<1000x64xf32, #tpu.memory_space<vmem_shared>>) target(%dma_start3A_165 : memref<128x64xf32, #tpu.memory_space<vmem>>) offsets(%dma_start3A_166 : memref<128xi32, #tpu.memory_space<vmem>>) semaphore(%arg10 : memref<!tpu.dma_semaphore, #tpu.memory_space<semaphore_mem>>)
        %mul3A_170 = arith.constant 512 : i32
        %mul3A_171 = arith.muli %add3A_136, %mul3A_170 : i32
        %add3A_172 = arith.constant 384 : i32
        %add3A_173 = arith.addi %mul3A_171, %add3A_172 : i32
        %dma_start3A_174 = arith.constant 384 : i32
        %dma_start3A_175 = arith.constant 0 : i32
        %dma_start3A_176 = tpu.memref_slice %arg7[%dma_start3A_174, %dma_start3A_175] : memref<512x64xf32, #tpu.memory_space<vmem>> -> memref<128x64xf32, #tpu.memory_space<vmem>>
        %dma_start3A_177 = tpu.memref_slice %arg5[%add3A_173] : memref<25600xi32, #tpu.memory_space<vmem>> -> memref<128xi32, #tpu.memory_space<vmem>>
        %dma_start3A_178 = arith.constant 0 : i32
        %dma_start3A_179 = arith.constant 0 : i32
        %dma_start3A_180 = tpu.memref_slice %arg8[%dma_start3A_178, %dma_start3A_179] : memref<1000x64xf32, #tpu.memory_space<vmem_shared>> -> memref<1000x64xf32, #tpu.memory_space<vmem_shared>>
        tpu.enqueue_indirect_dma source(%dma_start3A_180 : memref<1000x64xf32, #tpu.memory_space<vmem_shared>>) target(%dma_start3A_176 : memref<128x64xf32, #tpu.memory_space<vmem>>) offsets(%dma_start3A_177 : memref<128xi32, #tpu.memory_space<vmem>>) semaphore(%arg10 : memref<!tpu.dma_semaphore, #tpu.memory_space<semaphore_mem>>)
      } else {
      }
    }
    %scan3A_71 = arith.constant 25 : i32
    %dma_wait3A = arith.constant 0 : i32
    %dma_wait3A_72 = arith.constant 0 : i32
    %dma_wait3A_73 = tpu.memref_slice %arg4[%dma_wait3A, %dma_wait3A_72] : memref<819200x128xf32, #tpu.memory_space<hbm>> -> memref<512x64xf32, #tpu.memory_space<hbm>>
    %dma_wait3A_74 = arith.constant 0 : i32
    %dma_wait3A_75 = arith.constant 0 : i32
    %dma_wait3A_76 = tpu.memref_slice %arg4[%dma_wait3A_74, %dma_wait3A_75] : memref<819200x128xf32, #tpu.memory_space<hbm>> -> memref<512x64xf32, #tpu.memory_space<hbm>>
    tpu.wait_dma2 semaphore(%arg11 : memref<!tpu.dma_semaphore, #tpu.memory_space<semaphore_mem>>) src(%arg6 : memref<512x64xf32, #tpu.memory_space<vmem>>) dst(%dma_wait3A_76 : memref<512x64xf32, #tpu.memory_space<hbm>>)
    %dma_wait3A_77 = arith.constant 0 : i32
    %dma_wait3A_78 = arith.constant 0 : i32
    %dma_wait3A_79 = tpu.memref_slice %arg4[%dma_wait3A_77, %dma_wait3A_78] : memref<819200x128xf32, #tpu.memory_space<hbm>> -> memref<512x64xf32, #tpu.memory_space<hbm>>
    %dma_wait3A_80 = arith.constant 0 : i32
    %dma_wait3A_81 = arith.constant 0 : i32
    %dma_wait3A_82 = tpu.memref_slice %arg4[%dma_wait3A_80, %dma_wait3A_81] : memref<819200x128xf32, #tpu.memory_space<hbm>> -> memref<512x64xf32, #tpu.memory_space<hbm>>
    tpu.wait_dma2 semaphore(%arg12 : memref<!tpu.dma_semaphore, #tpu.memory_space<semaphore_mem>>) src(%arg7 : memref<512x64xf32, #tpu.memory_space<vmem>>) dst(%dma_wait3A_82 : memref<512x64xf32, #tpu.memory_space<hbm>>)
    return
  }
}

module attributes {stable_mosaic.version = 14 : i64} {
  func.func @_tc_body(%arg0: i32, %arg1: memref<25600x128xf32, #tpu.memory_space<vmem>>, %arg2: memref<3x200x128xf32, #tpu.memory_space<vmem>>, %arg3: memref<3x64xf32, #tpu.memory_space<vmem>>, %arg4: memref<1x64xf32, #tpu.memory_space<vmem>>, %arg5: memref<64x64xf32, #tpu.memory_space<vmem>>, %arg6: memref<1x64xf32, #tpu.memory_space<vmem>>, %arg7: memref<25600x128xf32, #tpu.memory_space<vmem>>) attributes {dimension_semantics = [#tpu.dimension_semantics<arbitrary>], iteration_bounds = array<i64: 32>, scalar_prefetch = 0 : i64, scratch_operands = 0 : i64, tpu.core_type = #tpu.core_type<tc>, window_params = [{transform_indices = @transform_0, window_bounds = array<i64: 25600, 128>}, {transform_indices = @transform_1, window_bounds = array<i64: 3, 200, 128>}, {pipeline_mode = #tpu.pipeline_mode<synchronous>, transform_indices = @transform_2, window_bounds = array<i64: 3, 64>}, {pipeline_mode = #tpu.pipeline_mode<synchronous>, transform_indices = @transform_3, window_bounds = array<i64: 1, 64>}, {pipeline_mode = #tpu.pipeline_mode<synchronous>, transform_indices = @transform_4, window_bounds = array<i64: 64, 64>}, {pipeline_mode = #tpu.pipeline_mode<synchronous>, transform_indices = @transform_5, window_bounds = array<i64: 1, 64>}, {transform_indices = @transform_6, window_bounds = array<i64: 25600, 128>}]} {
    %get3A = arith.constant 0 : index
    %get3A_0 = arith.constant 0 : index
    %get3A_1 = arith.constant 0 : index
    %get3A_2 = vector.load %arg2[%get3A, %get3A_0, %get3A_1] : memref<3x200x128xf32, #tpu.memory_space<vmem>>, vector<3x200x128xf32>
    %transpose3A = tpu.transpose %get3A_2, [0, 2, 1] : vector<3x200x128xf32> -> vector<3x128x200xf32>
    %reshape3A = vector.shape_cast %transpose3A : vector<3x128x200xf32> to vector<3x25600xf32>
    %get3A_3 = arith.constant 0 : index
    %get3A_4 = arith.constant 0 : index
    %get3A_5 = vector.load %arg3[%get3A_3, %get3A_4] : memref<3x64xf32, #tpu.memory_space<vmem>>, vector<3x64xf32>
    %dot_general3A = arith.constant dense<0.000000e+00> : vector<25600x64xf32>
    %dot_general3A_6 = tpu.matmul %reshape3A, %get3A_5, %dot_general3A {dimension_numbers = #tpu.dot_dimension_numbers<[0], [0], [1], [1], [0, 1, 1, 1], [], []>, transpose_lhs_hint = false} : vector<3x25600xf32>, vector<3x64xf32>, vector<25600x64xf32> -> vector<25600x64xf32>
    %get3A_7 = arith.constant 0 : index
    %get3A_8 = arith.constant 0 : index
    %get3A_9 = vector.load %arg4[%get3A_7, %get3A_8] : memref<1x64xf32, #tpu.memory_space<vmem>>, vector<1x64xf32>
    %add3A = vector.broadcast %get3A_9 : vector<1x64xf32> to vector<25600x64xf32>
    %add3A_10 = arith.addf %dot_general3A_6, %add3A : vector<25600x64xf32>
    %max3A = arith.constant 0.000000e+00 : f32
    %max3A_11 = vector.broadcast %max3A : f32 to vector<25600x64xf32>
    %max3A_12 = arith.maximumf %add3A_10, %max3A_11 : vector<25600x64xf32>
    %get3A_13 = arith.constant 0 : index
    %get3A_14 = arith.constant 0 : index
    %get3A_15 = vector.load %arg5[%get3A_13, %get3A_14] : memref<64x64xf32, #tpu.memory_space<vmem>>, vector<64x64xf32>
    %dot_general3A_16 = arith.constant dense<0.000000e+00> : vector<25600x64xf32>
    %dot_general3A_17 = tpu.matmul %max3A_12, %get3A_15, %dot_general3A_16 {dimension_numbers = #tpu.dot_dimension_numbers<[1], [0], [0], [1], [0, 0, 1, 1], [], []>, transpose_lhs_hint = false} : vector<25600x64xf32>, vector<64x64xf32>, vector<25600x64xf32> -> vector<25600x64xf32>
    %get3A_18 = arith.constant 0 : index
    %get3A_19 = arith.constant 0 : index
    %get3A_20 = vector.load %arg6[%get3A_18, %get3A_19] : memref<1x64xf32, #tpu.memory_space<vmem>>, vector<1x64xf32>
    %add3A_21 = vector.broadcast %get3A_20 : vector<1x64xf32> to vector<25600x64xf32>
    %add3A_22 = arith.addf %dot_general3A_17, %add3A_21 : vector<25600x64xf32>
    %get3A_23 = arith.constant 0 : index
    %get3A_24 = arith.constant 0 : index
    %get3A_25 = vector.load %arg1[%get3A_23, %get3A_24] : memref<25600x128xf32, #tpu.memory_space<vmem>>, vector<25600x64xf32>
    %concatenate3A = tpu.concatenate %get3A_25, %add3A_22 in 1 : vector<25600x64xf32>, vector<25600x64xf32> -> vector<25600x128xf32>
    %swap3A = arith.constant 0 : index
    %swap3A_26 = arith.constant 0 : index
    %swap3A_27 = vector.load %arg7[%swap3A, %swap3A_26] : memref<25600x128xf32, #tpu.memory_space<vmem>>, vector<25600x128xf32>
    tpu.vector_store %arg7[%swap3A, %swap3A_26], %concatenate3A {strides = array<i32>} : memref<25600x128xf32, #tpu.memory_space<vmem>>, vector<25600x128xf32>,
    return
  }
  func.func @transform_0(%arg0: i32) -> (i32, i32) {
    %c0_i32 = arith.constant 0 : i32
    %c0_i32_0 = arith.constant 0 : i32
    return %arg0, %c0_i32 : i32, i32
  }
  func.func @transform_1(%arg0: i32) -> (i32, i32, i32) {
    %c0_i32 = arith.constant 0 : i32
    %c0_i32_0 = arith.constant 0 : i32
    %c0_i32_1 = arith.constant 0 : i32
    return %c0_i32, %c0_i32_0, %arg0 : i32, i32, i32
  }
  func.func @transform_2(%arg0: i32) -> (i32, i32) {
    %c0_i32 = arith.constant 0 : i32
    %c0_i32_0 = arith.constant 0 : i32
    %c0_i32_1 = arith.constant 0 : i32
    return %c0_i32, %c0_i32_0 : i32, i32
  }
  func.func @transform_3(%arg0: i32) -> (i32, i32) {
    %c0_i32 = arith.constant 0 : i32
    %c0_i32_0 = arith.constant 0 : i32
    %c0_i32_1 = arith.constant 0 : i32
    return %c0_i32, %c0_i32_0 : i32, i32
  }
  func.func @transform_4(%arg0: i32) -> (i32, i32) {
    %c0_i32 = arith.constant 0 : i32
    %c0_i32_0 = arith.constant 0 : i32
    %c0_i32_1 = arith.constant 0 : i32
    return %c0_i32, %c0_i32_0 : i32, i32
  }
  func.func @transform_5(%arg0: i32) -> (i32, i32) {
    %c0_i32 = arith.constant 0 : i32
    %c0_i32_0 = arith.constant 0 : i32
    %c0_i32_1 = arith.constant 0 : i32
    return %c0_i32, %c0_i32_0 : i32, i32
  }
  func.func @transform_6(%arg0: i32) -> (i32, i32) {
    %c0_i32 = arith.constant 0 : i32
    %c0_i32_0 = arith.constant 0 : i32
    return %arg0, %c0_i32 : i32, i32
  }
}

</mosaic_0001>

<sc_bundles>
// kernel: kernel.4.cloned.1.call-start
scs
__scs_entry_jumppad:
0x0: {  	(pc) =	sbr.rel $0x88, $3  }
0x1: {  	(tag) =	ssettag $0x0;
	lr =	simm.s32 $0x1  }
0x2: {  	[smem:$0x3F9A] =	sst lr;
	_ =	strace $0xD0000000  }
0x3: {  	_ = 	snop  }
0x4: {  	_ = 	snop  }
0x5: {  	_ = 	snop  }
0x6: {  	_ = 	snop  }
0x7: {  	_ = 	snop  }
__scs_overlays_trampoline_lowered:
0x8: {  	[smem:$0x3FA9] =	sst s0  }
0x9: {  	[smem:$0x3FAA] =	sst s1  }
0xa: {  	[smem:$0x3FAB] =	sst s2  }
0xb: {  	[smem:$0x3FAC] =	sst s3  }
0xc: {  	[smem:$0x3FAD] =	sst s4  }
0xd: {  	[smem:$0x3FAE] =	sst s5  }
0xe: {  	[smem:$0x3FAF] =	sst s6  }
0xf: {  	[smem:$0x3FB0] =	sst s7  }
0x10: {  	[smem:$0x3FB1] =	sst s8  }
0x11: {  	[smem:$0x3FB2] =	sst s9;
	s0 =	simm.s32 @!p0 $0x0  }
0x12: {  	s1 =	sld [smem:$0x3F98];
	s0 =	simm.s32 @p0 $0x1  }
0x13: {  	[smem:$0x3FB3] =	sst s0;
	s0 =	simm.s32 @!p1 $0x0  }
0x14: {  	s2 =	sld [smem:$0x3F97];
	s0 =	simm.s32 @p1 $0x1  }
0x15: {  	[smem:$0x3FB4] =	sst s0;
	s0 =	simm.s32 @!p2 $0x0  }
0x16: {  	s3 =	sld [smem:$0x3FDB];
	s0 =	simm.s32 @p2 $0x1  }
0x17: {  	s4 =	simm.s32 $0x1BF5;
	[smem:$0x3FB6] =	sst s0  }
0x18: {  	s0 =	sld [smem:$0x3F99];
	_ =	swait.ge [sflag:s4], $0x0  }
0x19: {  	s7 =	sld [smem:$0x3F9A]  }
0x1a: {  	s8 =	sadd.s32 $0xFFFFE003, lr  }
0x1b: {  	s9 =	sadd.s32 $0xFFFFFEF7, lr;
	s5 =	simm.s32 $0xFFFFFFFF;
	p2 =	slt.u32 s8, $0xFFFFF086  }
0x1c: {  	p1 =	slt.u32 s9, $0xF7A;
	s5 =	simm.s32 @!p2 $0x0  }
0x1d: {  	s5 =	simm.s32 @p1 $0x1;
	p0 =	seq.s32 s7, s2  }
0x1e: {  	s7 =	smul.u32 @!p0 $0xF7A, s2;
	p2 =	seq.s32 @!p0 s5, $0x0  }
0x1f: {  	s9 =	smul.u32 $0xF7A, s1;
	s8 =	simm.s32 @!p0 $0x1BF5;
	p2 =	por !p2, p0  }
0x20: {  	[sflag:s8] =	ssyncset.s32 @!p0 $0xFFFFF086;
	s6 =	sadd.s32 @!p0 s3, s7;
	s7 =	simm.s32 @!p0 $0x108  }
0x21: {  	s3 =	sadd.s32 s3, s9;
	s6 =	sadd.s32 @!p0 $0x88, s6;
	s7 =	simm.s32 @p2 $0x1082  }
0x22: {  	[simem:s7], [sflag:s8] =	dma.local @!p0 [hbm:s6], $0xF7A  }
0x23: {  	s9 =	sor.u32 $0xD0000000, s2;
	s6 =	simm.s32 $0x108;
	_ =	swait.ge @!p0 [sflag:s8], $0x0  }
0x24: {  	s3 =	sadd.s32 $0x88, s3;
	s6 =	simm.s32 @!p1 $0x1082;
	[sflag:s4] =	ssyncset.s32 $0xFFFFF086  }
0x25: {  	[simem:s6], [sflag:s4] =	dma.local [hbm:s3], $0xF7A  }
0x26: {  	[smem:$0x3F9A] =	sst s1;
	(tag) =	ssettag s2;
	_ =	strace s9  }
0x27: {  	s1 =	sld [smem:$0x3FAA]  }
0x28: {  	s2 =	sld [smem:$0x3FAB]  }
0x29: {  	s4 =	sld [smem:$0x3FAD]  }
0x2a: {  	p0 =	seq.s32 s5, $0x0;
	s5 =	sld [smem:$0x3FAE]  }
0x2b: {  	s6 =	sld [smem:$0x3FAF]  }
0x2c: {  	s7 =	sld [smem:$0x3FB0]  }
0x2d: {  	s3 =	simm.s32 $0x108;
	s8 =	sld [smem:$0x3FB1]  }
0x2e: {  	s3 =	simm.s32 @!p0 $0x1082;
	s9 =	sld [smem:$0x3FB2]  }
0x2f: {  	lr =	sadd.s32 s0, s3;
	s0 =	sld [smem:$0x3FA9]  }
0x30: {  	s3 =	sld [smem:$0x3FAC]  }
0x31: {  	[smem:$0x3FB5] =	sst s10  }
0x32: {  	s10 =	sld [smem:$0x3FB3];
	_ =	sdelay $0x3  }
0x33: {  	p0 =	seq.s32 s10, $0x1;
	s10 =	sld [smem:$0x3FB5];
	_ =	sdelay $0x3  }
0x34: {  	[smem:$0x3FB5] =	sst s10  }
0x35: {  	s10 =	sld [smem:$0x3FB4];
	_ =	sdelay $0x3  }
0x36: {  	p1 =	seq.s32 s10, $0x1;
	s10 =	sld [smem:$0x3FB5];
	_ =	sdelay $0x3  }
0x37: {  	[smem:$0x3FB5] =	sst s10  }
0x38: {  	s10 =	sld [smem:$0x3FB6]  }
0x39: {  	_ = 	snop;
	(pc) =	sbr.ind lr, $3  }
0x3a: {  	_ = 	snop  }
0x3b: {  	_ = 	snop  }
0x3c: {  	p2 =	seq.s32 s10, $0x1;
	s10 =	sld [smem:$0x3FB5]  }
0x3d: {  	_ =	shalt  }
0x3e: {  	_ =	shalt  }
0x3f: {  	_ =	shalt  }
0x40: {  	_ =	shalt  }
0x41: {  	_ =	shalt  }
0x42: {  	_ =	shalt  }
0x43: {  	_ =	shalt  }
0x44: {  	_ =	shalt  }
0x45: {  	_ =	shalt  }
0x46: {  	_ =	shalt  }
0x47: {  	_ =	shalt  }
0x48: {  	_ =	shalt  }
0x49: {  	_ =	shalt  }
0x4a: {  	_ =	shalt  }
0x4b: {  	_ =	shalt  }
0x4c: {  	_ =	shalt  }
0x4d: {  	_ =	shalt  }
0x4e: {  	_ =	shalt  }
0x4f: {  	_ =	shalt  }
0x50: {  	_ =	shalt  }
0x51: {  	_ =	shalt  }
0x52: {  	_ =	shalt  }
0x53: {  	_ =	shalt  }
0x54: {  	_ =	shalt  }
0x55: {  	_ =	shalt  }
0x56: {  	_ =	shalt  }
0x57: {  	_ =	shalt  }
0x58: {  	_ =	shalt  }
0x59: {  	_ =	shalt  }
0x5a: {  	_ =	shalt  }
0x5b: {  	_ =	shalt  }
0x5c: {  	_ =	shalt  }
0x5d: {  	_ =	shalt  }
0x5e: {  	_ =	shalt  }
0x5f: {  	_ =	shalt  }
0x60: {  	_ =	shalt  }
0x61: {  	_ =	shalt  }
0x62: {  	_ =	shalt  }
0x63: {  	_ =	shalt  }
0x64: {  	_ =	shalt  }
0x65: {  	_ =	shalt  }
0x66: {  	_ =	shalt  }
0x67: {  	_ =	shalt  }
0x68: {  	_ =	shalt  }
0x69: {  	_ =	shalt  }
0x6a: {  	_ =	shalt  }
0x6b: {  	_ =	shalt  }
0x6c: {  	_ =	shalt  }
0x6d: {  	_ =	shalt  }
0x6e: {  	_ =	shalt  }
0x6f: {  	_ =	shalt  }
0x70: {  	_ =	shalt  }
0x71: {  	_ =	shalt  }
0x72: {  	_ =	shalt  }
0x73: {  	_ =	shalt  }
0x74: {  	_ =	shalt  }
0x75: {  	_ =	shalt  }
0x76: {  	_ =	shalt  }
0x77: {  	_ =	shalt  }
0x78: {  	_ =	shalt  }
0x79: {  	_ =	shalt  }
0x7a: {  	_ =	shalt  }
0x7b: {  	_ =	shalt  }
0x7c: {  	_ =	shalt  }
0x7d: {  	_ =	shalt  }
0x7e: {  	_ =	shalt  }
0x7f: {  	_ =	shalt  }
0x80: {  	_ =	shalt  }
0x81: {  	_ =	shalt  }
0x82: {  	_ =	shalt  }
0x83: {  	_ =	shalt  }
0x84: {  	_ =	shalt  }
0x85: {  	_ =	shalt  }
0x86: {  	_ =	shalt  }
0x87: {  	_ =	shalt  }
.Lfunc_end0:
.L_simem_size_0:
called_computation_lowered:
.L_overlay_start_0:
0x88: {  	s2 =	sld [smem:$0x3FD9]  }
0x89: {  	s3 =	sld [smem:$0x3FFE];
	_ =	sdelay $0x1  }
0x8a: {  	s1 =	srdreg.scid  }
0x8b: {  	s0 =	sand.u32 $0x1, s1  }
0x8c: {  	s17 =	sshll.u32 s0, $0xA;
	s2 =	sadd.s32 s3, s2  }
0x8d: {  	s2 =	sadd.s32 s2, s17  }
0x8e: {  	[smem:$0x3FC1] =	sst s2  }
0x8f: {  	_ = 	snop  }
0x90: {  	s2 =	sld [smem:$0x3FD0];
	(tm) =	ssettm $0x1  }
0x91: {  	s18 =	sld [smem:$0x3FFB];
	_ =	sdelay $0x3  }
0x92: {  	_ =	strace s18  }
0x93: {  	s3 =	sld [smem:$0x3FFC];
	_ =	sdelay $0x3  }
0x94: {  	_ =	strace s3  }
0x95: {  	s3 =	sld [smem:$0x3FFD];
	_ =	sdelay $0x3  }
0x96: {  	_ =	strace s3  }
0x97: {  	_ =	strace $0x8FFFFFFF  }
0x98: {  	s19 =	sld [smem:$0x3FDB];
	_ =	sdelay $0x1  }
0x99: {  	s4 =	simm.s32 $_scs_section_size  }
0x9a: {  	s5 =	simm.s32 $_size__tile_overlayer_lowered;
	s6 =	simm.s32 $_tile_overlayer_lowered  }
0x9b: {  	s22 =	simm.s32 $0x1BFF;
	s21 =	sshll.u32 s6, $0x1;
	s3 =	sadd.s32 s4, s19  }
0x9c: {  	s7 =	simm.s32 $0x0;
	s20 =	sshll.u32 s5, $0x1;
	s5 =	sadd.s32 s21, s3  }
0x9d: {  	[timem:s7], [sflag:s22] =	dma.local [hbm:s5], s20  }
0x9e: {  	_ =	swait.ge [sflag:s22], s20  }
0x9f: {  	s4 =	ssub.s32 $0x0, s20;
	[sflag:s22] =	ssyncset.done $0x0  }
0xa0: {  	[sflag:s22] =	ssyncadd.s32 s4;
	_ =	sdelay $0x1  }
0xa1: {  	s23 =	simm.s32 $0x1B8B  }
0xa2: {  	_ =	swait.ge [sflag:s23], $0x1  }
0xa3: {  	[sflag:s23] =	ssyncset.done $0x0  }
0xa4: {  	s25 =	simm.s32 $0x1B8E;
	s24 =	sld [smem:$0x3FFE];
	[sflag:s23] =	ssyncadd.s32 $0xFFFFFFFF  }
0xa5: {  	s26 =	simm.s32 $execute0_lowered;
	[smem:$0x3FD2] =	sst s25  }
0xa6: {  	s5 =	sshll.u32 s26, $0x1;
	_ =	strace $0x80000046;
	[dreg:$0x1] =	wrdreg $0xFFFFFFFF  }
0xa7: {  	s28 =	simm.s32 $_size_execute0_lowered;
	s3 =	sadd.s32 s3, s5;
	[dreg:$0x0] =	wrdreg $0x0  }
0xa8: {  	s5 =	sshll.u32 s28, $0x1;
	[dreg:$0x2] =	wrdreg s3  }
0xa9: {  	[dreg:$0x3] =	wrdreg s5  }
0xaa: {  	[dreg:$0x4] =	wrdreg $0xC0  }
0xab: {  	_ =	task [dreg:s7], $0x5FFFF  }
0xac: {  	[dreg:$0x1] =	wrdreg $0xFFFFFFFF  }
0xad: {  	[dreg:$0x0] =	wrdreg $0x60  }
0xae: {  	[dreg:$0x2] =	wrdreg s24  }
0xaf: {  	[dreg:$0x3] =	wrdreg s2  }
0xb0: {  	[dreg:$0x4] =	wrdreg $0x164000  }
0xb1: {  	[dreg:$0x5] =	wrdreg $0x9  }
0xb2: {  	_ =	task.clear_ibuf [dreg:s7], $0x6FFFF;
	_ =	strace $0x90000046  }
0xb3: {  	s29 =	simm.s32 $0x9;
	_ =	strace $0x80000048  }
0xb4: {  	_ =	swait.ge [sflag:s29], $0x1  }
0xb5: {  	[sflag:s29] =	ssyncadd.s32 $0xFFFFFFFF  }
0xb6: {  	_ =	strace $0x90000048  }
0xb7: {  	_ =	sfence  }
0xb8: {  	s30 =	sld [smem:$0x0];
	_ =	sdelay $0x2  }
0xb9: {  	s31 =	sshll.u32 s1, $0xD;
	s1 =	sshrl.u32 s1, $0x2  }
0xba: {  	s3 =	sand.u32 $0x4000, s31;
	s1 =	sadd.s32 s1, s30  }
0xbb: {  	s0 =	sor.u32 s3, s0;
	s1 =	sshll.u32 s1, $0x11  }
0xbc: {  	s0 =	sor.u32 s1, s0  }
0xbd: {  	s0 =	sadd.s32 $0x8F2B, s0  }
0xbe: {  	[sflag:s0] =	ssyncadd.remote.s32 $0x1  }
0xbf: {  	_ =	sfence.sel $0xFFFF  }
0xc0: {  	[dreg:$0x0] =	wrdreg $0xFFFFFFFF;
	(pc) =	sbr.abs _section_cstart, $3  }
0xc1: {  	[dreg:$0x1] =	wrdreg $0xFFFFFFFF  }
0xc2: {  	_ =	task.clear_ibuf [dreg:s7], $0x2FFFF;
	_ =	strace $0x9FFFFFFF  }
0xc3: {  	(tm) =	ssettm $0x7FFFFFFF  }
tec
execute0_lowered:
.L_overlay_start_1:
0x0: {  	(tag) =	ssettag $0x1  }
0x1: {  	s0 =	srdreg.scid;
	s3 =	rddreg [dreg:$0x0]  }
0x2: {  	s9 =	stileid.u32;
	s10 =	rddreg [dreg:$0x1];
	s2 =	simm.s32 $0x0  }
0x3: {  	s14 =	simm.s32 $0x8400;
	s16 =	simm.s32 $0xA400;
	s18 =	simm.s32 $0xC400  }
0x4: {  	s20 =	simm.s32 $0xE400;
	s22 =	simm.s32 $0x10400;
	s24 =	simm.s32 $0x12400  }
0x5: {  	s28 =	simm.s32 $0x1;
	s29 =	simm.s32 $0x40;
	s8 =	smul.u32 $0x640000, s9  }
0x6: {  	s30 =	simm.s32 $0x2;
	s0 =	sand.u32 $0x1, s0;
	s13 =	smul.u32 $0xC800, s9  }
0x7: {  	s31 =	simm.s32 $0x3;
	s1 =	sshll.u32 s9, $0x1;
	s11 =	smul.u32 $0x320000, s0  }
0x8: {  	s4 =	sor.u32 s0, s1;
	s26 =	ssub.s32 $0x2, s0;
	s0 =	smul.u32 $0x6400, s0  }
0x9: {  	s15 =	simm.s32 $0x0;
	[smem:$0x7FF] =	sst s2;
	s5 =	smul.u32 $0x6400, s4  }
0xa: {  	p0 =	sne.s32 s9, $0x0;
	s1 =	rddreg [dreg:$0x2];
	s6 =	smul.u32 $0x320000, s4  }
0xb: {  	_ =	strace $0x80000047;
	s7 =	smul.u32 $0x64000, s4;
	s12 =	sshrl.u32 s26, $0x1  }
0xc: {  	s8 =	sadd.s32 s11, s8;
	s0 =	sadd.s32 s0, s13;
	s11 =	simm.s32 $0x5  }
0xd: {  	s13 =	simm.s32 $0x6400;
	s5 =	sshrl.u32 s5, $0x3;
	s6 =	sshrl.u32 s6, $0x3  }
0xe: {  	s7 =	sadd.s32 s10, s7;
	s8 =	sshrl.u32 s8, $0x3;
	s0 =	sshll.u32 s0, $0x4  }
0xf: {  	s25 =	sadd.s32 s5, s3;
	s3 =	sadd.s32 $0x400, s3;
	s5 =	ssub.s32 s26, s12  }
0x10: {  	s6 =	sadd.s32 s10, s6;
	s7 =	sadd.s32 $0x62000, s7;
	s8 =	sadd.s32 s8, s10  }
0x11: {  	s0 =	sadd.s32 s0, s10;
	s10 =	sshrl.u32 @!p0 s1, $0x3;
	s12 =	simm.s32 $0x80  }
0x12: {  	s26 =	simm.s32 $0x14400;
	s4 =	sadd.s32 $0x2400, s25;
	s5 =	smax.u32 s5, $0x1  }
0x13: {  	s6 =	sadd.s32 $0x60000, s6;
	s9 =	sadd.s32 $0x2000, s0;
	s0 =	simm.s32 $0x4  }
.LBB2_1:
0x14: {  	s17 =	simm.s32 @!p0 $0x1C05  }
0x15: {  	[spmem:s10], [sflag:s17] =	dma.local @!p0 [hbm:s3], $0x1F40  }
0x16: {  	s17 =	simm.s32 @!p0 $0x5  }
0x17: {  	_ =	swait.ge @!p0 [sflag:s17], $0x1F40  }
0x18: {  	[sflag:s17] =	ssyncset.done @!p0 $0x0  }
0x19: {  	[sflag:s17] =	ssyncadd.s32 @!p0 $0xFFFFE0C0  }
0x1a: {  	[bflag:$0x0] =	sbarrier.arrive $0xFFFF  }
0x1b: {  	[tilespmem:s2], [sflag:$0x5] =	stream.linear.gather [hbm4b:s4+s2], $0x6400, $0x38;
	[tilespmem:$0x173A0] =	vst v63  }
0x1c: {  	_ =	swait.ge [sflag:s11], $0x6400  }
0x1d: {  	[sflag:s11] =	ssyncset.done $0x0  }
0x1e: {  	[sflag:s11] =	ssyncadd.s32 $0xFFFF9C00  }
0x1f: {  	[tilespmem:s13], [sflag:$0x1] =	stream.indirect.gather [spmem:s1], $0x40, s2, s12, $0xb8;
	[tilespmem:$0x173A0] =	vst v63  }
0x20: {  	_ = 	snop  }
0x21: {  	[tilespmem:s14], [sflag:$0x1] =	stream.indirect.gather [spmem:s1], $0x40, s12, s12, $0xb8;
	[tilespmem:$0x173A0] =	vst v63  }
0x22: {  	s25 =	simm.s32 $0x100  }
0x23: {  	[tilespmem:s16], [sflag:$0x1] =	stream.indirect.gather [spmem:s1], $0x40, s25, s12, $0xb8;
	[tilespmem:$0x173A0] =	vst v63  }
0x24: {  	s19 =	simm.s32 $0x180  }
0x25: {  	[tilespmem:s18], [sflag:$0x1] =	stream.indirect.gather [spmem:s1], $0x40, s19, s12, $0xb8;
	[tilespmem:$0x173A0] =	vst v63  }
0x26: {  	s21 =	simm.s32 $0x200  }
0x27: {  	[tilespmem:s20], [sflag:$0x2] =	stream.indirect.gather [spmem:s1], $0x40, s21, s12, $0xb8;
	[tilespmem:$0x173A0] =	vst v63  }
0x28: {  	s23 =	simm.s32 $0x280  }
0x29: {  	[tilespmem:s22], [sflag:$0x2] =	stream.indirect.gather [spmem:s1], $0x40, s23, s12, $0xb8;
	[tilespmem:$0x173A0] =	vst v63  }
0x2a: {  	s25 =	simm.s32 $0x300  }
0x2b: {  	[tilespmem:s24], [sflag:$0x2] =	stream.indirect.gather [spmem:s1], $0x40, s25, s12, $0xb8;
	[tilespmem:$0x173A0] =	vst v63  }
0x2c: {  	s19 =	simm.s32 $0x380  }
0x2d: {  	[tilespmem:s26], [sflag:$0x2] =	stream.indirect.gather [spmem:s1], $0x40, s19, s12, $0xb8;
	[tilespmem:$0x173A0] =	vst v63  }
0x2e: {  	_ =	swait.ge [sflag:s28], $0x8000  }
0x2f: {  	[sflag:s28] =	ssyncset.done $0x0  }
0x30: {  	[sflag:s28] =	ssyncadd.s32 $0xFFFF8000  }
0x31: {  	[hbm4b:s8+s29] =	stream.strided.scatter [tilespmem:s13], [sflag:$0x3], $0x8000, s12, s29, $0x38;
	[tilespmem:$0x173A0] =	vst v63  }
0x32: {  	_ =	swait.ge [sflag:s30], $0x8000  }
0x33: {  	[sflag:s30] =	ssyncset.done $0x0  }
0x34: {  	[sflag:s30] =	ssyncadd.s32 $0xFFFF8000  }
0x35: {  	[hbm4b:s9+s29] =	stream.strided.scatter [tilespmem:s20], [sflag:$0x4], $0x8000, s12, s29, $0x38;
	[tilespmem:$0x173A0] =	vst v63  }
0x36: {  	_ =	swait.ge [sflag:s31], $0x8000  }
0x37: {  	[sflag:s31] =	ssyncset.done $0x0  }
0x38: {  	s21 =	simm.s32 $0x400;
	[sflag:s31] =	ssyncadd.s32 $0xFFFF8000  }
0x39: {  	[tilespmem:s13], [sflag:$0x1] =	stream.indirect.gather [spmem:s1], $0x40, s21, s12, $0xb8;
	[tilespmem:$0x173A0] =	vst v63  }
0x3a: {  	s23 =	simm.s32 $0x480  }
0x3b: {  	[tilespmem:s14], [sflag:$0x1] =	stream.indirect.gather [spmem:s1], $0x40, s23, s12, $0xb8;
	[tilespmem:$0x173A0] =	vst v63  }
0x3c: {  	s25 =	simm.s32 $0x500  }
0x3d: {  	[tilespmem:s16], [sflag:$0x1] =	stream.indirect.gather [spmem:s1], $0x40, s25, s12, $0xb8;
	[tilespmem:$0x173A0] =	vst v63  }
0x3e: {  	s19 =	simm.s32 $0x580  }
0x3f: {  	[tilespmem:s18], [sflag:$0x1] =	stream.indirect.gather [spmem:s1], $0x40, s19, s12, $0xb8;
	[tilespmem:$0x173A0] =	vst v63  }
0x40: {  	_ =	swait.ge [sflag:s0], $0x8000  }
0x41: {  	[sflag:s0] =	ssyncset.done $0x0  }
0x42: {  	s21 =	simm.s32 $0x600;
	[sflag:s0] =	ssyncadd.s32 $0xFFFF8000  }
0x43: {  	[tilespmem:s20], [sflag:$0x2] =	stream.indirect.gather [spmem:s1], $0x40, s21, s12, $0xb8;
	[tilespmem:$0x173A0] =	vst v63  }
0x44: {  	s17 =	simm.s32 $0x1000;
	s23 =	simm.s32 $0x680;
	s25 =	simm.s32 $0x700  }
0x45: {  	[tilespmem:s22], [sflag:$0x2] =	stream.indirect.gather [spmem:s1], $0x40, s23, s12, $0xb8;
	[tilespmem:$0x173A0] =	vst v63  }
0x46: {  	s19 =	sadd.s32 $0x4000, s8;
	s21 =	sadd.s32 $0x4000, s9;
	s23 =	simm.s32 $0x780  }
0x47: {  	[tilespmem:s24], [sflag:$0x2] =	stream.indirect.gather [spmem:s1], $0x40, s25, s12, $0xb8;
	[tilespmem:$0x173A0] =	vst v63  }
.LBB2_2:
0x48: {  	[tilespmem:s26], [sflag:$0x2] =	stream.indirect.gather [spmem:s1], $0x40, s23, s12, $0xb8;
	[tilespmem:$0x173A0] =	vst v63  }
0x49: {  	s23 =	smov.u32 s17  }
0x4a: {  	p1 =	sne.s32 s17, $0x17000;
	s17 =	sadd.s32 $0x1000, s17;
	_ =	swait.ge [sflag:s28], $0x8000  }
0x4b: {  	[sflag:s28] =	ssyncset.done $0x0  }
0x4c: {  	[sflag:s28] =	ssyncadd.s32 $0xFFFF8000  }
0x4d: {  	[hbm4b:s19+s29] =	stream.strided.scatter [tilespmem:s13], [sflag:$0x3], $0x8000, s12, s29, $0x38;
	[tilespmem:$0x173A0] =	vst v63  }
0x4e: {  	_ =	swait.ge [sflag:s30], $0x8000  }
0x4f: {  	[sflag:s30] =	ssyncset.done $0x0  }
0x50: {  	[sflag:s30] =	ssyncadd.s32 $0xFFFF8000  }
0x51: {  	[hbm4b:s21+s29] =	stream.strided.scatter [tilespmem:s20], [sflag:$0x4], $0x8000, s12, s29, $0x38;
	[tilespmem:$0x173A0] =	vst v63  }
0x52: {  	_ =	swait.ge [sflag:s31], $0x8000  }
0x53: {  	s23 =	sshra.s32 s23, $0x2;
	[sflag:s31] =	ssyncset.done $0x0  }
0x54: {  	s25 =	sadd.s32 $0x400, s23;
	[sflag:s31] =	ssyncadd.s32 $0xFFFF8000  }
0x55: {  	[tilespmem:s13], [sflag:$0x1] =	stream.indirect.gather [spmem:s1], $0x40, s25, s12, $0xb8;
	[tilespmem:$0x173A0] =	vst v63  }
0x56: {  	s25 =	sadd.s32 $0x480, s23  }
0x57: {  	[tilespmem:s14], [sflag:$0x1] =	stream.indirect.gather [spmem:s1], $0x40, s25, s12, $0xb8;
	[tilespmem:$0x173A0] =	vst v63  }
0x58: {  	s25 =	sadd.s32 $0x500, s23  }
0x59: {  	[tilespmem:s16], [sflag:$0x1] =	stream.indirect.gather [spmem:s1], $0x40, s25, s12, $0xb8;
	[tilespmem:$0x173A0] =	vst v63  }
0x5a: {  	s25 =	sadd.s32 $0x580, s23  }
0x5b: {  	[tilespmem:s18], [sflag:$0x1] =	stream.indirect.gather [spmem:s1], $0x40, s25, s12, $0xb8;
	[tilespmem:$0x173A0] =	vst v63  }
0x5c: {  	_ =	swait.ge [sflag:s0], $0x8000  }
0x5d: {  	[sflag:s0] =	ssyncset.done $0x0  }
0x5e: {  	s25 =	sadd.s32 $0x600, s23;
	[sflag:s0] =	ssyncadd.s32 $0xFFFF8000  }
0x5f: {  	[tilespmem:s20], [sflag:$0x2] =	stream.indirect.gather [spmem:s1], $0x40, s25, s12, $0xb8;
	[tilespmem:$0x173A0] =	vst v63  }
.Ltmp0:
0x60: {  	s25 =	sadd.s32 $0x680, s23;
	(pc) =	sbr.rel @p1 .LBB2_2-.Ltmp0, $4  }
0x61: {  	[tilespmem:s22], [sflag:$0x2] =	stream.indirect.gather [spmem:s1], $0x40, s25, s12, $0xb8;
	[tilespmem:$0x173A0] =	vst v63  }
0x62: {  	s25 =	sadd.s32 $0x700, s23  }
0x63: {  	[tilespmem:s24], [sflag:$0x2] =	stream.indirect.gather [spmem:s1], $0x40, s25, s12, $0xb8;
	[tilespmem:$0x173A0] =	vst v63  }
0x64: {  	s19 =	sadd.s32 $0x4000, s19;
	s21 =	sadd.s32 $0x4000, s21;
	s23 =	sadd.s32 $0x780, s23  }
0x65: {  	[tilespmem:s26], [sflag:$0x2] =	stream.indirect.gather [spmem:s1], $0x40, s23, s12, $0xb8;
	[tilespmem:$0x173A0] =	vst v63  }
0x66: {  	_ =	swait.ge [sflag:s28], $0x8000  }
0x67: {  	[sflag:s28] =	ssyncset.done $0x0  }
0x68: {  	[sflag:s28] =	ssyncadd.s32 $0xFFFF8000  }
0x69: {  	[hbm4b:s6+s29] =	stream.strided.scatter [tilespmem:s13], [sflag:$0x3], $0x8000, s12, s29, $0x38;
	[tilespmem:$0x173A0] =	vst v63  }
0x6a: {  	_ =	swait.ge [sflag:s30], $0x8000  }
0x6b: {  	[sflag:s30] =	ssyncset.done $0x0  }
0x6c: {  	s15 =	sadd.s32 $0x1, s15;
	[sflag:s30] =	ssyncadd.s32 $0xFFFF8000  }
0x6d: {  	[hbm4b:s7+s29] =	stream.strided.scatter [tilespmem:s20], [sflag:$0x4], $0x8000, s12, s29, $0x38;
	[tilespmem:$0x173A0] =	vst v63  }
0x6e: {  	p1 =	sne.s32 s15, s5;
	_ =	swait.ge [sflag:s31], $0x8000  }
.Ltmp1:
0x6f: {  	[sflag:s31] =	ssyncset.done $0x0;
	(pc) =	sbr.rel @p1 .LBB2_1-.Ltmp1, $4  }
0x70: {  	[sflag:s31] =	ssyncadd.s32 $0xFFFF8000  }
0x71: {  	_ =	swait.ge [sflag:s0], $0x8000  }
0x72: {  	[sflag:s0] =	ssyncset.done $0x0  }
0x73: {  	[sflag:s0] =	ssyncadd.s32 $0xFFFF8000  }
0x74: {  	_ =	sfence.sel $0x180000  }
0x75: {  	[bflag:$0x0] =	sbarrier.arrive $0xFFFF  }
0x76: {  	_ =	strace $0x90000047  }
0x77: {  	[bflag:$0x2] =	sbarrier.arrive $0xFFFF  }
0x78: {  	s0 =	rddreg [dreg:$0x3]  }
0x79: {  	s0 =	sadd.s32 @!p0 $0x100000, s0  }
0x7a: {  	[sflag:s0] =	ssyncadd.tile.s32 @!p0 $0x1;
	_ =	shalt  }
.Lfunc_end2:
_tile_overlayer_lowered:
.L_overlay_start_2:
0x7b: {  	(tag) =	ssettag $0x2  }
0x7c: {  	s0 =	rddreg [dreg:$0x0];
	s2 =	stileid.u32  }
0x7d: {  	s1 =	rddreg [dreg:$0x1];
	p0 =	sne.s32 s2, $0x0  }
0x7e: {  	s3 =	rddreg [dreg:$0x2];
	[bflag:$0x3] =	sbarrier.arrive $0xFFFF;
	s2 =	simm.s32 @!p0 $0x1C05  }
0x7f: {  	[timem:s3], [sflag:s2] =	dma.local @!p0 [hbm:s0], s1  }
0x80: {  	s0 =	simm.s32 @!p0 $0x5  }
0x81: {  	_ =	swait.ge @!p0 [sflag:s0], s1  }
0x82: {  	s1 =	ssub.s32 @!p0 $0x0, s1;
	[sflag:s0] =	ssyncset.done @!p0 $0x0  }
0x83: {  	[sflag:s0] =	ssyncadd.s32 @!p0 s1  }
0x84: {  	[bflag:$0x3] =	sbarrier.arrive $0xFFFF  }
0x85: {  	_ =	shalt  }

</sc_bundles>
